<compile_context>
chip_gen: v7x
topology: tpu7x:2x2x1
jax: 0.10.2.dev20260603
libtpu: 0.0.44.dev20260713+nightly
codegen_flags: <defaults>
</compile_context>

<pallas_src>
import functools

import jax
import jax.numpy as jnp
from jax import lax
from jax.experimental import pallas as pl
from jax.experimental.pallas import tpu as pltpu
from jax.experimental.pallas import tpu_sc as plsc

_NC = 2
_NS = 16
_NW = _NC * _NS
_K = 16
_NBUF = 4


def _build(b_flat, d):
    rows_per_w = b_flat // _NW
    nchunks = rows_per_w // _K
    ngroups = nchunks // _NBUF
    mesh = plsc.VectorSubcoreMesh(core_axis_name="c", subcore_axis_name="s")

    @functools.partial(
        pl.kernel,
        mesh=mesh,
        out_type=jax.ShapeDtypeStruct((b_flat, d), jnp.float32),
        scratch_types=[
            pltpu.VMEM((rows_per_w,), jnp.int32),
        ]
        + [pltpu.VMEM((_K, d), jnp.float32)] * _NBUF
        + [pltpu.SemaphoreType.DMA] * (2 * _NBUF),
    )
    def k(ids_hbm, table_hbm, out_hbm, idx_v, *scratch):
        bufs = scratch[:_NBUF]
        gsems = scratch[_NBUF : 2 * _NBUF]
        wsems = scratch[2 * _NBUF :]
        wid = lax.axis_index("s") * _NC + lax.axis_index("c")
        base = wid * rows_per_w
        w_per_row = ids_hbm.shape[1] // rows_per_w
        pltpu.sync_copy(
            ids_hbm.at[wid // w_per_row,
                       pl.ds((wid % w_per_row) * rows_per_w, rows_per_w)],
            idx_v,
        )

        pltpu.async_copy(table_hbm.at[idx_v.at[pl.ds(0, _K)]], bufs[0], gsems[0])
        pltpu.async_copy(table_hbm.at[idx_v.at[pl.ds(_K, _K)]], bufs[1], gsems[1])

        def step(p, b):
            c = p * _NBUF + b
            pltpu.make_async_copy(
                table_hbm.at[idx_v.at[pl.ds(c * _K, _K)]], bufs[b], gsems[b]
            ).wait()
            pltpu.async_copy(
                bufs[b], out_hbm.at[pl.ds(base + c * _K, _K)], wsems[b]
            )
            t = c + 2
            bt = (b + 2) % _NBUF

            @pl.when(t < nchunks)
            def _():
                @pl.when(t >= _NBUF)
                def _():
                    pltpu.make_async_copy(
                        bufs[bt],
                        out_hbm.at[pl.ds(base + (t - _NBUF) * _K, _K)],
                        wsems[bt],
                    ).wait()

                pltpu.async_copy(table_hbm.at[idx_v.at[pl.ds(t * _K, _K)]], bufs[bt], gsems[bt])

        def body(p, carry):
            for b in range(_NBUF):
                step(p, b)
            return carry

        lax.fori_loop(0, ngroups, body, 0)

        for b in range(_NBUF):
            c = nchunks - _NBUF + b
            pltpu.make_async_copy(
                bufs[b], out_hbm.at[pl.ds(base + c * _K, _K)], wsems[b]
            ).wait()

    return k


def kernel(input_ids, embedding_weight):
    bt, s = input_ids.shape
    b_flat = bt * s
    d = embedding_weight.shape[1]
    out = _build(b_flat, d)(input_ids, embedding_weight)
    return out.reshape(bt, s, d)

# --- scband reference (transcript-rebuilt; emitter-appended) ---
"""Pipeline reference for scband-token-embedding-42923903156252 (READ-ONLY COPY).

The authoritative reference and input builder live on the scoring server;
editing this copy changes nothing except your own understanding.
"""

import jax, jax.numpy as jnp
import numpy as np

VOCAB_SIZE = 100000
D_MODEL = 1024
BATCH = 4
SEQ_LEN = 4096

def setup_inputs(seed: int = 0) -> dict:
    key = jax.random.key(seed)
    k_ids, k_emb = jax.random.split(key)
    input_ids = jax.random.randint(k_ids, (BATCH, SEQ_LEN), 0, VOCAB_SIZE, dtype=jnp.int64 if jax.config.jax_enable_x64 else jnp.int32)
    # Embedding table initialized ~ N(0, 0.02) per the torch module's _init_weights
    embedding_weight = jax.random.normal(k_emb, (VOCAB_SIZE, D_MODEL), dtype=jnp.float32) * 0.02
    return {"input_ids": input_ids, "embedding_weight": embedding_weight}

def reference(input_ids, embedding_weight):
    # Faithful translation of nn.Embedding lookup: table[idx]
    return jnp.take(embedding_weight, input_ids, axis=0)

if __name__ == "__main__":
    import jax
    _d = setup_inputs()
    print(jax.jit(kernel)(*tuple(_d.values())))

</pallas_src>

<mosaic_0001>
#map = affine_map<(d0, d1) -> (0, 0)>
module attributes {stable_mosaic.version = 14 : i64} {
  func.func @k(%arg0: i32, %arg1: i32, %arg2: memref<4x4096xi32, #tpu.memory_space<hbm>>, %arg3: memref<100000x1024xf32, #tpu.memory_space<hbm>>, %arg4: memref<16384x1024xf32, #tpu.memory_space<hbm>>, %arg5: memref<512xi32, #tpu.memory_space<vmem>>, %arg6: memref<16x1024xf32, #tpu.memory_space<vmem>>, %arg7: memref<16x1024xf32, #tpu.memory_space<vmem>>, %arg8: memref<16x1024xf32, #tpu.memory_space<vmem>>, %arg9: memref<16x1024xf32, #tpu.memory_space<vmem>>, %arg10: memref<!tpu.dma_semaphore, #tpu.memory_space<semaphore_mem>>, %arg11: memref<!tpu.dma_semaphore, #tpu.memory_space<semaphore_mem>>, %arg12: memref<!tpu.dma_semaphore, #tpu.memory_space<semaphore_mem>>, %arg13: memref<!tpu.dma_semaphore, #tpu.memory_space<semaphore_mem>>, %arg14: memref<!tpu.dma_semaphore, #tpu.memory_space<semaphore_mem>>, %arg15: memref<!tpu.dma_semaphore, #tpu.memory_space<semaphore_mem>>, %arg16: memref<!tpu.dma_semaphore, #tpu.memory_space<semaphore_mem>>, %arg17: memref<!tpu.dma_semaphore, #tpu.memory_space<semaphore_mem>>) attributes {dimension_semantics = [#tpu.dimension_semantics<core_parallel>, #tpu.dimension_semantics<subcore_parallel>], iteration_bounds = array<i64: 2, 16>, scalar_prefetch = 0 : i64, scratch_operands = 13 : i64, tpu.core_type = #tpu.core_type<sc_vector_subcore>, window_params = [{transform_indices = #map}, {transform_indices = #map}, {transform_indices = #map}]} {
    %mul3A = arith.constant 2 : i32
    %mul3A_0 = arith.muli %arg1, %mul3A : i32
    %add3A = arith.addi %mul3A_0, %arg0 : i32
    %mul3A_1 = arith.constant 512 : i32
    %mul3A_2 = arith.muli %add3A, %mul3A_1 : i32
    %jit3A = arith.constant 8 : i32
    %div3A = arith.divsi %add3A, %jit3A : i32
    %sign3A = arith.constant 0 : i32
    %sign3A_3 = arith.cmpi sgt, %add3A, %sign3A : i32
    %sign3A_4 = arith.extui %sign3A_3 : i1 to i32
    %sign3A_5 = arith.constant 0 : i32
    %sign3A_6 = arith.cmpi slt, %add3A, %sign3A_5 : i32
    %sign3A_7 = arith.extui %sign3A_6 : i1 to i32
    %sign3A_8 = arith.subi %sign3A_4, %sign3A_7 : i32
    %sign3A_9 = arith.constant 0 : i32
    %sign3A_10 = arith.cmpi sgt, %jit3A, %sign3A_9 : i32
    %sign3A_11 = arith.extui %sign3A_10 : i1 to i32
    %sign3A_12 = arith.constant 0 : i32
    %sign3A_13 = arith.cmpi slt, %jit3A, %sign3A_12 : i32
    %sign3A_14 = arith.extui %sign3A_13 : i1 to i32
    %sign3A_15 = arith.subi %sign3A_11, %sign3A_14 : i32
    %ne3A = arith.cmpi ne, %sign3A_8, %sign3A_15 : i32
    %rem3A = arith.remsi %add3A, %jit3A : i32
    %ne3A_16 = arith.constant 0 : i32
    %ne3A_17 = arith.cmpi ne, %rem3A, %ne3A_16 : i32
    %and3A = arith.andi %ne3A, %ne3A_17 : i1
    %sub3A = arith.constant 1 : i32
    %sub3A_18 = arith.subi %div3A, %sub3A : i32
    %select_n3A = arith.select %and3A, %sub3A_18, %div3A : i32
    %jit3A_19 = arith.constant 8 : i32
    %eq3A = arith.constant 0 : i32
    %eq3A_20 = arith.cmpi eq, %jit3A_19, %eq3A : i32
    %jit3A_21 = arith.constant 1 : i32
    %select_n3A_22 = arith.select %eq3A_20, %jit3A_21, %jit3A_19 : i32
    %rem3A_23 = arith.remsi %add3A, %select_n3A_22 : i32
    %ne3A_24 = arith.constant 0 : i32
    %ne3A_25 = arith.cmpi ne, %rem3A_23, %ne3A_24 : i32
    %lt3A = arith.constant 0 : i32
    %lt3A_26 = arith.cmpi slt, %rem3A_23, %lt3A : i32
    %lt3A_27 = arith.constant 0 : i32
    %lt3A_28 = arith.cmpi slt, %select_n3A_22, %lt3A_27 : i32
    %ne3A_29 = arith.xori %lt3A_26, %lt3A_28 : i1
    %and3A_30 = arith.andi %ne3A_29, %ne3A_25 : i1
    %add3A_31 = arith.addi %rem3A_23, %select_n3A_22 : i32
    %select_n3A_32 = arith.select %and3A_30, %add3A_31, %rem3A_23 : i32
    %mul3A_33 = arith.constant 512 : i32
    %mul3A_34 = arith.muli %select_n3A_32, %mul3A_33 : i32
    "tpu.region"() ({
      %run_scoped3A = tpu.sem_alloc : memref<!tpu.dma_semaphore, #tpu.memory_space<semaphore_mem>>
      %dma_start3A_72 = tpu.memref_slice %arg2[%select_n3A, %mul3A_34] : memref<4x4096xi32, #tpu.memory_space<hbm>> -> memref<1x512xi32, #tpu.memory_space<hbm>>
      %dma_start3A_73 = tpu.memref_squeeze %dma_start3A_72 : memref<1x512xi32, #tpu.memory_space<hbm>> -> memref<512xi32, #tpu.memory_space<hbm>>
      %dma_start3A_74 = tpu.memref_slice %arg2[%select_n3A, %mul3A_34] : memref<4x4096xi32, #tpu.memory_space<hbm>> -> memref<1x512xi32, #tpu.memory_space<hbm>>
      %dma_start3A_75 = tpu.memref_squeeze %dma_start3A_74 : memref<1x512xi32, #tpu.memory_space<hbm>> -> memref<512xi32, #tpu.memory_space<hbm>>
      tpu.enqueue_dma source(%dma_start3A_75 : memref<512xi32, #tpu.memory_space<hbm>>) target(%arg5 : memref<512xi32, #tpu.memory_space<vmem>>) target_semaphore(%run_scoped3A : memref<!tpu.dma_semaphore, #tpu.memory_space<semaphore_mem>>)
      %dma_wait3A_76 = tpu.memref_slice %arg2[%select_n3A, %mul3A_34] : memref<4x4096xi32, #tpu.memory_space<hbm>> -> memref<1x512xi32, #tpu.memory_space<hbm>>
      %dma_wait3A_77 = tpu.memref_squeeze %dma_wait3A_76 : memref<1x512xi32, #tpu.memory_space<hbm>> -> memref<512xi32, #tpu.memory_space<hbm>>
      %dma_wait3A_78 = tpu.memref_slice %arg2[%select_n3A, %mul3A_34] : memref<4x4096xi32, #tpu.memory_space<hbm>> -> memref<1x512xi32, #tpu.memory_space<hbm>>
      %dma_wait3A_79 = tpu.memref_squeeze %dma_wait3A_78 : memref<1x512xi32, #tpu.memory_space<hbm>> -> memref<512xi32, #tpu.memory_space<hbm>>
      tpu.wait_dma2 semaphore(%run_scoped3A : memref<!tpu.dma_semaphore, #tpu.memory_space<semaphore_mem>>) src(%dma_wait3A_79 : memref<512xi32, #tpu.memory_space<hbm>>) dst(%arg5 : memref<512xi32, #tpu.memory_space<vmem>>)
      tpu.yield
    }) : () -> ()
    %dma_start3A = arith.constant 0 : i32
    %dma_start3A_35 = tpu.memref_slice %arg5[%dma_start3A] : memref<512xi32, #tpu.memory_space<vmem>> -> memref<16xi32, #tpu.memory_space<vmem>>
    %dma_start3A_36 = arith.constant 0 : i32
    %dma_start3A_37 = arith.constant 0 : i32
    %dma_start3A_38 = tpu.memref_slice %arg3[%dma_start3A_36, %dma_start3A_37] : memref<100000x1024xf32, #tpu.memory_space<hbm>> -> memref<100000x1024xf32, #tpu.memory_space<hbm>>
    tpu.enqueue_indirect_dma source(%dma_start3A_38 : memref<100000x1024xf32, #tpu.memory_space<hbm>>) target(%arg6 : memref<16x1024xf32, #tpu.memory_space<vmem>>) offsets(%dma_start3A_35 : memref<16xi32, #tpu.memory_space<vmem>>) semaphore(%arg10 : memref<!tpu.dma_semaphore, #tpu.memory_space<semaphore_mem>>)
    %dma_start3A_39 = arith.constant 16 : i32
    %dma_start3A_40 = tpu.memref_slice %arg5[%dma_start3A_39] : memref<512xi32, #tpu.memory_space<vmem>> -> memref<16xi32, #tpu.memory_space<vmem>>
    %dma_start3A_41 = arith.constant 0 : i32
    %dma_start3A_42 = arith.constant 0 : i32
    %dma_start3A_43 = tpu.memref_slice %arg3[%dma_start3A_41, %dma_start3A_42] : memref<100000x1024xf32, #tpu.memory_space<hbm>> -> memref<100000x1024xf32, #tpu.memory_space<hbm>>
    tpu.enqueue_indirect_dma source(%dma_start3A_43 : memref<100000x1024xf32, #tpu.memory_space<hbm>>) target(%arg7 : memref<16x1024xf32, #tpu.memory_space<vmem>>) offsets(%dma_start3A_40 : memref<16xi32, #tpu.memory_space<vmem>>) semaphore(%arg11 : memref<!tpu.dma_semaphore, #tpu.memory_space<semaphore_mem>>)
    %scan3A = arith.constant 0 : i32
    %scan3A_44 = arith.constant 0 : i32
    %scan3A_45 = arith.constant 8 : i32
    %scan3A_46 = arith.addi %scan3A_44, %scan3A_45 : i32
    %scan3A_47 = arith.constant 1 : i32
    scf.for %scan3A_72 = %scan3A_44 to %scan3A_46 step %scan3A_47  : i32 {
      %mul3A_73 = arith.constant 4 : i32
      %mul3A_74 = arith.muli %scan3A_72, %mul3A_73 : i32
      %add3A_75 = arith.constant 0 : i32
      %add3A_76 = arith.addi %mul3A_74, %add3A_75 : i32
      %mul3A_77 = arith.constant 16 : i32
      %mul3A_78 = arith.muli %add3A_76, %mul3A_77 : i32
      %dma_wait3A_79 = tpu.memref_slice %arg5[%mul3A_78] : memref<512xi32, #tpu.memory_space<vmem>> -> memref<16xi32, #tpu.memory_space<vmem>>
      %dma_wait3A_80 = arith.constant 0 : i32
      %dma_wait3A_81 = arith.constant 0 : i32
      %dma_wait3A_82 = tpu.memref_slice %arg3[%dma_wait3A_80, %dma_wait3A_81] : memref<100000x1024xf32, #tpu.memory_space<hbm>> -> memref<100000x1024xf32, #tpu.memory_space<hbm>>
      tpu.wait_indirect_dma semaphore(%arg10 : memref<!tpu.dma_semaphore, #tpu.memory_space<semaphore_mem>>) src(%dma_wait3A_82 : memref<100000x1024xf32, #tpu.memory_space<hbm>>) dst(%arg6 : memref<16x1024xf32, #tpu.memory_space<vmem>>)
      %mul3A_83 = arith.constant 16 : i32
      %mul3A_84 = arith.muli %add3A_76, %mul3A_83 : i32
      %add3A_85 = arith.addi %mul3A_2, %mul3A_84 : i32
      %dma_start3A_86 = arith.constant 0 : i32
      %dma_start3A_87 = tpu.memref_slice %arg4[%add3A_85, %dma_start3A_86] : memref<16384x1024xf32, #tpu.memory_space<hbm>> -> memref<16x1024xf32, #tpu.memory_space<hbm>>
      %dma_start3A_88 = arith.constant 0 : i32
      %dma_start3A_89 = tpu.memref_slice %arg4[%add3A_85, %dma_start3A_88] : memref<16384x1024xf32, #tpu.memory_space<hbm>> -> memref<16x1024xf32, #tpu.memory_space<hbm>>
      tpu.enqueue_dma source(%arg6 : memref<16x1024xf32, #tpu.memory_space<vmem>>) target(%dma_start3A_89 : memref<16x1024xf32, #tpu.memory_space<hbm>>) target_semaphore(%arg14 : memref<!tpu.dma_semaphore, #tpu.memory_space<semaphore_mem>>)
      %add3A_90 = arith.constant 2 : i32
      %add3A_91 = arith.addi %add3A_76, %add3A_90 : i32
      %lt3A_92 = arith.constant 32 : i32
      %lt3A_93 = arith.cmpi slt, %add3A_91, %lt3A_92 : i32
      %convert_element_type3A = arith.extui %lt3A_93 : i1 to i32
      %cond3A = arith.constant 0 : i32
      %cond3A_94 = arith.cmpi ne, %convert_element_type3A, %cond3A : i32
      scf.if %cond3A_94 {
        %ge3A = arith.constant 4 : i32
        %ge3A_167 = arith.cmpi sge, %add3A_91, %ge3A : i32
        %convert_element_type3A_168 = arith.extui %ge3A_167 : i1 to i32
        %cond3A_169 = arith.constant 0 : i32
        %cond3A_170 = arith.cmpi ne, %convert_element_type3A_168, %cond3A_169 : i32
        scf.if %cond3A_170 {
          %sub3A_177 = arith.constant 4 : i32
          %sub3A_178 = arith.subi %add3A_91, %sub3A_177 : i32
          %mul3A_179 = arith.constant 16 : i32
          %mul3A_180 = arith.muli %sub3A_178, %mul3A_179 : i32
          %add3A_181 = arith.addi %mul3A_2, %mul3A_180 : i32
          %dma_wait3A_182 = arith.constant 0 : i32
          %dma_wait3A_183 = tpu.memref_slice %arg4[%add3A_181, %dma_wait3A_182] : memref<16384x1024xf32, #tpu.memory_space<hbm>> -> memref<16x1024xf32, #tpu.memory_space<hbm>>
          %dma_wait3A_184 = arith.constant 0 : i32
          %dma_wait3A_185 = tpu.memref_slice %arg4[%add3A_181, %dma_wait3A_184] : memref<16384x1024xf32, #tpu.memory_space<hbm>> -> memref<16x1024xf32, #tpu.memory_space<hbm>>
          tpu.wait_dma2 semaphore(%arg16 : memref<!tpu.dma_semaphore, #tpu.memory_space<semaphore_mem>>) src(%arg8 : memref<16x1024xf32, #tpu.memory_space<vmem>>) dst(%dma_wait3A_185 : memref<16x1024xf32, #tpu.memory_space<hbm>>)
        } else {
        }
        %mul3A_171 = arith.constant 16 : i32
        %mul3A_172 = arith.muli %add3A_91, %mul3A_171 : i32
        %dma_start3A_173 = tpu.memref_slice %arg5[%mul3A_172] : memref<512xi32, #tpu.memory_space<vmem>> -> memref<16xi32, #tpu.memory_space<vmem>>
        %dma_start3A_174 = arith.constant 0 : i32
        %dma_start3A_175 = arith.constant 0 : i32
        %dma_start3A_176 = tpu.memref_slice %arg3[%dma_start3A_174, %dma_start3A_175] : memref<100000x1024xf32, #tpu.memory_space<hbm>> -> memref<100000x1024xf32, #tpu.memory_space<hbm>>
        tpu.enqueue_indirect_dma source(%dma_start3A_176 : memref<100000x1024xf32, #tpu.memory_space<hbm>>) target(%arg8 : memref<16x1024xf32, #tpu.memory_space<vmem>>) offsets(%dma_start3A_173 : memref<16xi32, #tpu.memory_space<vmem>>) semaphore(%arg12 : memref<!tpu.dma_semaphore, #tpu.memory_space<semaphore_mem>>)
      } else {
      }
      %mul3A_95 = arith.constant 4 : i32
      %mul3A_96 = arith.muli %scan3A_72, %mul3A_95 : i32
      %add3A_97 = arith.constant 1 : i32
      %add3A_98 = arith.addi %mul3A_96, %add3A_97 : i32
      %mul3A_99 = arith.constant 16 : i32
      %mul3A_100 = arith.muli %add3A_98, %mul3A_99 : i32
      %dma_wait3A_101 = tpu.memref_slice %arg5[%mul3A_100] : memref<512xi32, #tpu.memory_space<vmem>> -> memref<16xi32, #tpu.memory_space<vmem>>
      %dma_wait3A_102 = arith.constant 0 : i32
      %dma_wait3A_103 = arith.constant 0 : i32
      %dma_wait3A_104 = tpu.memref_slice %arg3[%dma_wait3A_102, %dma_wait3A_103] : memref<100000x1024xf32, #tpu.memory_space<hbm>> -> memref<100000x1024xf32, #tpu.memory_space<hbm>>
      tpu.wait_indirect_dma semaphore(%arg11 : memref<!tpu.dma_semaphore, #tpu.memory_space<semaphore_mem>>) src(%dma_wait3A_104 : memref<100000x1024xf32, #tpu.memory_space<hbm>>) dst(%arg7 : memref<16x1024xf32, #tpu.memory_space<vmem>>)
      %mul3A_105 = arith.constant 16 : i32
      %mul3A_106 = arith.muli %add3A_98, %mul3A_105 : i32
      %add3A_107 = arith.addi %mul3A_2, %mul3A_106 : i32
      %dma_start3A_108 = arith.constant 0 : i32
      %dma_start3A_109 = tpu.memref_slice %arg4[%add3A_107, %dma_start3A_108] : memref<16384x1024xf32, #tpu.memory_space<hbm>> -> memref<16x1024xf32, #tpu.memory_space<hbm>>
      %dma_start3A_110 = arith.constant 0 : i32
      %dma_start3A_111 = tpu.memref_slice %arg4[%add3A_107, %dma_start3A_110] : memref<16384x1024xf32, #tpu.memory_space<hbm>> -> memref<16x1024xf32, #tpu.memory_space<hbm>>
      tpu.enqueue_dma source(%arg7 : memref<16x1024xf32, #tpu.memory_space<vmem>>) target(%dma_start3A_111 : memref<16x1024xf32, #tpu.memory_space<hbm>>) target_semaphore(%arg15 : memref<!tpu.dma_semaphore, #tpu.memory_space<semaphore_mem>>)
      %add3A_112 = arith.constant 2 : i32
      %add3A_113 = arith.addi %add3A_98, %add3A_112 : i32
      %lt3A_114 = arith.constant 32 : i32
      %lt3A_115 = arith.cmpi slt, %add3A_113, %lt3A_114 : i32
      %convert_element_type3A_116 = arith.extui %lt3A_115 : i1 to i32
      %cond3A_117 = arith.constant 0 : i32
      %cond3A_118 = arith.cmpi ne, %convert_element_type3A_116, %cond3A_117 : i32
      scf.if %cond3A_118 {
        %ge3A = arith.constant 4 : i32
        %ge3A_167 = arith.cmpi sge, %add3A_113, %ge3A : i32
        %convert_element_type3A_168 = arith.extui %ge3A_167 : i1 to i32
        %cond3A_169 = arith.constant 0 : i32
        %cond3A_170 = arith.cmpi ne, %convert_element_type3A_168, %cond3A_169 : i32
        scf.if %cond3A_170 {
          %sub3A_177 = arith.constant 4 : i32
          %sub3A_178 = arith.subi %add3A_113, %sub3A_177 : i32
          %mul3A_179 = arith.constant 16 : i32
          %mul3A_180 = arith.muli %sub3A_178, %mul3A_179 : i32
          %add3A_181 = arith.addi %mul3A_2, %mul3A_180 : i32
          %dma_wait3A_182 = arith.constant 0 : i32
          %dma_wait3A_183 = tpu.memref_slice %arg4[%add3A_181, %dma_wait3A_182] : memref<16384x1024xf32, #tpu.memory_space<hbm>> -> memref<16x1024xf32, #tpu.memory_space<hbm>>
          %dma_wait3A_184 = arith.constant 0 : i32
          %dma_wait3A_185 = tpu.memref_slice %arg4[%add3A_181, %dma_wait3A_184] : memref<16384x1024xf32, #tpu.memory_space<hbm>> -> memref<16x1024xf32, #tpu.memory_space<hbm>>
          tpu.wait_dma2 semaphore(%arg17 : memref<!tpu.dma_semaphore, #tpu.memory_space<semaphore_mem>>) src(%arg9 : memref<16x1024xf32, #tpu.memory_space<vmem>>) dst(%dma_wait3A_185 : memref<16x1024xf32, #tpu.memory_space<hbm>>)
        } else {
        }
        %mul3A_171 = arith.constant 16 : i32
        %mul3A_172 = arith.muli %add3A_113, %mul3A_171 : i32
        %dma_start3A_173 = tpu.memref_slice %arg5[%mul3A_172] : memref<512xi32, #tpu.memory_space<vmem>> -> memref<16xi32, #tpu.memory_space<vmem>>
        %dma_start3A_174 = arith.constant 0 : i32
        %dma_start3A_175 = arith.constant 0 : i32
        %dma_start3A_176 = tpu.memref_slice %arg3[%dma_start3A_174, %dma_start3A_175] : memref<100000x1024xf32, #tpu.memory_space<hbm>> -> memref<100000x1024xf32, #tpu.memory_space<hbm>>
        tpu.enqueue_indirect_dma source(%dma_start3A_176 : memref<100000x1024xf32, #tpu.memory_space<hbm>>) target(%arg9 : memref<16x1024xf32, #tpu.memory_space<vmem>>) offsets(%dma_start3A_173 : memref<16xi32, #tpu.memory_space<vmem>>) semaphore(%arg13 : memref<!tpu.dma_semaphore, #tpu.memory_space<semaphore_mem>>)
      } else {
      }
      %mul3A_119 = arith.constant 4 : i32
      %mul3A_120 = arith.muli %scan3A_72, %mul3A_119 : i32
      %add3A_121 = arith.constant 2 : i32
      %add3A_122 = arith.addi %mul3A_120, %add3A_121 : i32
      %mul3A_123 = arith.constant 16 : i32
      %mul3A_124 = arith.muli %add3A_122, %mul3A_123 : i32
      %dma_wait3A_125 = tpu.memref_slice %arg5[%mul3A_124] : memref<512xi32, #tpu.memory_space<vmem>> -> memref<16xi32, #tpu.memory_space<vmem>>
      %dma_wait3A_126 = arith.constant 0 : i32
      %dma_wait3A_127 = arith.constant 0 : i32
      %dma_wait3A_128 = tpu.memref_slice %arg3[%dma_wait3A_126, %dma_wait3A_127] : memref<100000x1024xf32, #tpu.memory_space<hbm>> -> memref<100000x1024xf32, #tpu.memory_space<hbm>>
      tpu.wait_indirect_dma semaphore(%arg12 : memref<!tpu.dma_semaphore, #tpu.memory_space<semaphore_mem>>) src(%dma_wait3A_128 : memref<100000x1024xf32, #tpu.memory_space<hbm>>) dst(%arg8 : memref<16x1024xf32, #tpu.memory_space<vmem>>)
      %mul3A_129 = arith.constant 16 : i32
      %mul3A_130 = arith.muli %add3A_122, %mul3A_129 : i32
      %add3A_131 = arith.addi %mul3A_2, %mul3A_130 : i32
      %dma_start3A_132 = arith.constant 0 : i32
      %dma_start3A_133 = tpu.memref_slice %arg4[%add3A_131, %dma_start3A_132] : memref<16384x1024xf32, #tpu.memory_space<hbm>> -> memref<16x1024xf32, #tpu.memory_space<hbm>>
      %dma_start3A_134 = arith.constant 0 : i32
      %dma_start3A_135 = tpu.memref_slice %arg4[%add3A_131, %dma_start3A_134] : memref<16384x1024xf32, #tpu.memory_space<hbm>> -> memref<16x1024xf32, #tpu.memory_space<hbm>>
      tpu.enqueue_dma source(%arg8 : memref<16x1024xf32, #tpu.memory_space<vmem>>) target(%dma_start3A_135 : memref<16x1024xf32, #tpu.memory_space<hbm>>) target_semaphore(%arg16 : memref<!tpu.dma_semaphore, #tpu.memory_space<semaphore_mem>>)
      %add3A_136 = arith.constant 2 : i32
      %add3A_137 = arith.addi %add3A_122, %add3A_136 : i32
      %lt3A_138 = arith.constant 32 : i32
      %lt3A_139 = arith.cmpi slt, %add3A_137, %lt3A_138 : i32
      %convert_element_type3A_140 = arith.extui %lt3A_139 : i1 to i32
      %cond3A_141 = arith.constant 0 : i32
      %cond3A_142 = arith.cmpi ne, %convert_element_type3A_140, %cond3A_141 : i32
      scf.if %cond3A_142 {
        %ge3A = arith.constant 4 : i32
        %ge3A_167 = arith.cmpi sge, %add3A_137, %ge3A : i32
        %convert_element_type3A_168 = arith.extui %ge3A_167 : i1 to i32
        %cond3A_169 = arith.constant 0 : i32
        %cond3A_170 = arith.cmpi ne, %convert_element_type3A_168, %cond3A_169 : i32
        scf.if %cond3A_170 {
          %sub3A_177 = arith.constant 4 : i32
          %sub3A_178 = arith.subi %add3A_137, %sub3A_177 : i32
          %mul3A_179 = arith.constant 16 : i32
          %mul3A_180 = arith.muli %sub3A_178, %mul3A_179 : i32
          %add3A_181 = arith.addi %mul3A_2, %mul3A_180 : i32
          %dma_wait3A_182 = arith.constant 0 : i32
          %dma_wait3A_183 = tpu.memref_slice %arg4[%add3A_181, %dma_wait3A_182] : memref<16384x1024xf32, #tpu.memory_space<hbm>> -> memref<16x1024xf32, #tpu.memory_space<hbm>>
          %dma_wait3A_184 = arith.constant 0 : i32
          %dma_wait3A_185 = tpu.memref_slice %arg4[%add3A_181, %dma_wait3A_184] : memref<16384x1024xf32, #tpu.memory_space<hbm>> -> memref<16x1024xf32, #tpu.memory_space<hbm>>
          tpu.wait_dma2 semaphore(%arg14 : memref<!tpu.dma_semaphore, #tpu.memory_space<semaphore_mem>>) src(%arg6 : memref<16x1024xf32, #tpu.memory_space<vmem>>) dst(%dma_wait3A_185 : memref<16x1024xf32, #tpu.memory_space<hbm>>)
        } else {
        }
        %mul3A_171 = arith.constant 16 : i32
        %mul3A_172 = arith.muli %add3A_137, %mul3A_171 : i32
        %dma_start3A_173 = tpu.memref_slice %arg5[%mul3A_172] : memref<512xi32, #tpu.memory_space<vmem>> -> memref<16xi32, #tpu.memory_space<vmem>>
        %dma_start3A_174 = arith.constant 0 : i32
        %dma_start3A_175 = arith.constant 0 : i32
        %dma_start3A_176 = tpu.memref_slice %arg3[%dma_start3A_174, %dma_start3A_175] : memref<100000x1024xf32, #tpu.memory_space<hbm>> -> memref<100000x1024xf32, #tpu.memory_space<hbm>>
        tpu.enqueue_indirect_dma source(%dma_start3A_176 : memref<100000x1024xf32, #tpu.memory_space<hbm>>) target(%arg6 : memref<16x1024xf32, #tpu.memory_space<vmem>>) offsets(%dma_start3A_173 : memref<16xi32, #tpu.memory_space<vmem>>) semaphore(%arg10 : memref<!tpu.dma_semaphore, #tpu.memory_space<semaphore_mem>>)
      } else {
      }
      %mul3A_143 = arith.constant 4 : i32
      %mul3A_144 = arith.muli %scan3A_72, %mul3A_143 : i32
      %add3A_145 = arith.constant 3 : i32
      %add3A_146 = arith.addi %mul3A_144, %add3A_145 : i32
      %mul3A_147 = arith.constant 16 : i32
      %mul3A_148 = arith.muli %add3A_146, %mul3A_147 : i32
      %dma_wait3A_149 = tpu.memref_slice %arg5[%mul3A_148] : memref<512xi32, #tpu.memory_space<vmem>> -> memref<16xi32, #tpu.memory_space<vmem>>
      %dma_wait3A_150 = arith.constant 0 : i32
      %dma_wait3A_151 = arith.constant 0 : i32
      %dma_wait3A_152 = tpu.memref_slice %arg3[%dma_wait3A_150, %dma_wait3A_151] : memref<100000x1024xf32, #tpu.memory_space<hbm>> -> memref<100000x1024xf32, #tpu.memory_space<hbm>>
      tpu.wait_indirect_dma semaphore(%arg13 : memref<!tpu.dma_semaphore, #tpu.memory_space<semaphore_mem>>) src(%dma_wait3A_152 : memref<100000x1024xf32, #tpu.memory_space<hbm>>) dst(%arg9 : memref<16x1024xf32, #tpu.memory_space<vmem>>)
      %mul3A_153 = arith.constant 16 : i32
      %mul3A_154 = arith.muli %add3A_146, %mul3A_153 : i32
      %add3A_155 = arith.addi %mul3A_2, %mul3A_154 : i32
      %dma_start3A_156 = arith.constant 0 : i32
      %dma_start3A_157 = tpu.memref_slice %arg4[%add3A_155, %dma_start3A_156] : memref<16384x1024xf32, #tpu.memory_space<hbm>> -> memref<16x1024xf32, #tpu.memory_space<hbm>>
      %dma_start3A_158 = arith.constant 0 : i32
      %dma_start3A_159 = tpu.memref_slice %arg4[%add3A_155, %dma_start3A_158] : memref<16384x1024xf32, #tpu.memory_space<hbm>> -> memref<16x1024xf32, #tpu.memory_space<hbm>>
      tpu.enqueue_dma source(%arg9 : memref<16x1024xf32, #tpu.memory_space<vmem>>) target(%dma_start3A_159 : memref<16x1024xf32, #tpu.memory_space<hbm>>) target_semaphore(%arg17 : memref<!tpu.dma_semaphore, #tpu.memory_space<semaphore_mem>>)
      %add3A_160 = arith.constant 2 : i32
      %add3A_161 = arith.addi %add3A_146, %add3A_160 : i32
      %lt3A_162 = arith.constant 32 : i32
      %lt3A_163 = arith.cmpi slt, %add3A_161, %lt3A_162 : i32
      %convert_element_type3A_164 = arith.extui %lt3A_163 : i1 to i32
      %cond3A_165 = arith.constant 0 : i32
      %cond3A_166 = arith.cmpi ne, %convert_element_type3A_164, %cond3A_165 : i32
      scf.if %cond3A_166 {
        %ge3A = arith.constant 4 : i32
        %ge3A_167 = arith.cmpi sge, %add3A_161, %ge3A : i32
        %convert_element_type3A_168 = arith.extui %ge3A_167 : i1 to i32
        %cond3A_169 = arith.constant 0 : i32
        %cond3A_170 = arith.cmpi ne, %convert_element_type3A_168, %cond3A_169 : i32
        scf.if %cond3A_170 {
          %sub3A_177 = arith.constant 4 : i32
          %sub3A_178 = arith.subi %add3A_161, %sub3A_177 : i32
          %mul3A_179 = arith.constant 16 : i32
          %mul3A_180 = arith.muli %sub3A_178, %mul3A_179 : i32
          %add3A_181 = arith.addi %mul3A_2, %mul3A_180 : i32
          %dma_wait3A_182 = arith.constant 0 : i32
          %dma_wait3A_183 = tpu.memref_slice %arg4[%add3A_181, %dma_wait3A_182] : memref<16384x1024xf32, #tpu.memory_space<hbm>> -> memref<16x1024xf32, #tpu.memory_space<hbm>>
          %dma_wait3A_184 = arith.constant 0 : i32
          %dma_wait3A_185 = tpu.memref_slice %arg4[%add3A_181, %dma_wait3A_184] : memref<16384x1024xf32, #tpu.memory_space<hbm>> -> memref<16x1024xf32, #tpu.memory_space<hbm>>
          tpu.wait_dma2 semaphore(%arg15 : memref<!tpu.dma_semaphore, #tpu.memory_space<semaphore_mem>>) src(%arg7 : memref<16x1024xf32, #tpu.memory_space<vmem>>) dst(%dma_wait3A_185 : memref<16x1024xf32, #tpu.memory_space<hbm>>)
        } else {
        }
        %mul3A_171 = arith.constant 16 : i32
        %mul3A_172 = arith.muli %add3A_161, %mul3A_171 : i32
        %dma_start3A_173 = tpu.memref_slice %arg5[%mul3A_172] : memref<512xi32, #tpu.memory_space<vmem>> -> memref<16xi32, #tpu.memory_space<vmem>>
        %dma_start3A_174 = arith.constant 0 : i32
        %dma_start3A_175 = arith.constant 0 : i32
        %dma_start3A_176 = tpu.memref_slice %arg3[%dma_start3A_174, %dma_start3A_175] : memref<100000x1024xf32, #tpu.memory_space<hbm>> -> memref<100000x1024xf32, #tpu.memory_space<hbm>>
        tpu.enqueue_indirect_dma source(%dma_start3A_176 : memref<100000x1024xf32, #tpu.memory_space<hbm>>) target(%arg7 : memref<16x1024xf32, #tpu.memory_space<vmem>>) offsets(%dma_start3A_173 : memref<16xi32, #tpu.memory_space<vmem>>) semaphore(%arg11 : memref<!tpu.dma_semaphore, #tpu.memory_space<semaphore_mem>>)
      } else {
      }
    }
    %scan3A_48 = arith.constant 8 : i32
    %add3A_49 = arith.constant 448 : i32
    %add3A_50 = arith.addi %mul3A_2, %add3A_49 : i32
    %dma_wait3A = arith.constant 0 : i32
    %dma_wait3A_51 = tpu.memref_slice %arg4[%add3A_50, %dma_wait3A] : memref<16384x1024xf32, #tpu.memory_space<hbm>> -> memref<16x1024xf32, #tpu.memory_space<hbm>>
    %dma_wait3A_52 = arith.constant 0 : i32
    %dma_wait3A_53 = tpu.memref_slice %arg4[%add3A_50, %dma_wait3A_52] : memref<16384x1024xf32, #tpu.memory_space<hbm>> -> memref<16x1024xf32, #tpu.memory_space<hbm>>
    tpu.wait_dma2 semaphore(%arg14 : memref<!tpu.dma_semaphore, #tpu.memory_space<semaphore_mem>>) src(%arg6 : memref<16x1024xf32, #tpu.memory_space<vmem>>) dst(%dma_wait3A_53 : memref<16x1024xf32, #tpu.memory_space<hbm>>)
    %add3A_54 = arith.constant 464 : i32
    %add3A_55 = arith.addi %mul3A_2, %add3A_54 : i32
    %dma_wait3A_56 = arith.constant 0 : i32
    %dma_wait3A_57 = tpu.memref_slice %arg4[%add3A_55, %dma_wait3A_56] : memref<16384x1024xf32, #tpu.memory_space<hbm>> -> memref<16x1024xf32, #tpu.memory_space<hbm>>
    %dma_wait3A_58 = arith.constant 0 : i32
    %dma_wait3A_59 = tpu.memref_slice %arg4[%add3A_55, %dma_wait3A_58] : memref<16384x1024xf32, #tpu.memory_space<hbm>> -> memref<16x1024xf32, #tpu.memory_space<hbm>>
    tpu.wait_dma2 semaphore(%arg15 : memref<!tpu.dma_semaphore, #tpu.memory_space<semaphore_mem>>) src(%arg7 : memref<16x1024xf32, #tpu.memory_space<vmem>>) dst(%dma_wait3A_59 : memref<16x1024xf32, #tpu.memory_space<hbm>>)
    %add3A_60 = arith.constant 480 : i32
    %add3A_61 = arith.addi %mul3A_2, %add3A_60 : i32
    %dma_wait3A_62 = arith.constant 0 : i32
    %dma_wait3A_63 = tpu.memref_slice %arg4[%add3A_61, %dma_wait3A_62] : memref<16384x1024xf32, #tpu.memory_space<hbm>> -> memref<16x1024xf32, #tpu.memory_space<hbm>>
    %dma_wait3A_64 = arith.constant 0 : i32
    %dma_wait3A_65 = tpu.memref_slice %arg4[%add3A_61, %dma_wait3A_64] : memref<16384x1024xf32, #tpu.memory_space<hbm>> -> memref<16x1024xf32, #tpu.memory_space<hbm>>
    tpu.wait_dma2 semaphore(%arg16 : memref<!tpu.dma_semaphore, #tpu.memory_space<semaphore_mem>>) src(%arg8 : memref<16x1024xf32, #tpu.memory_space<vmem>>) dst(%dma_wait3A_65 : memref<16x1024xf32, #tpu.memory_space<hbm>>)
    %add3A_66 = arith.constant 496 : i32
    %add3A_67 = arith.addi %mul3A_2, %add3A_66 : i32
    %dma_wait3A_68 = arith.constant 0 : i32
    %dma_wait3A_69 = tpu.memref_slice %arg4[%add3A_67, %dma_wait3A_68] : memref<16384x1024xf32, #tpu.memory_space<hbm>> -> memref<16x1024xf32, #tpu.memory_space<hbm>>
    %dma_wait3A_70 = arith.constant 0 : i32
    %dma_wait3A_71 = tpu.memref_slice %arg4[%add3A_67, %dma_wait3A_70] : memref<16384x1024xf32, #tpu.memory_space<hbm>> -> memref<16x1024xf32, #tpu.memory_space<hbm>>
    tpu.wait_dma2 semaphore(%arg17 : memref<!tpu.dma_semaphore, #tpu.memory_space<semaphore_mem>>) src(%arg9 : memref<16x1024xf32, #tpu.memory_space<vmem>>) dst(%dma_wait3A_71 : memref<16x1024xf32, #tpu.memory_space<hbm>>)
    return
  }
}

</mosaic_0001>

<sc_bundles>
// kernel: kernel.3.cloned.1.call-start
scs
__scs_entry_jumppad:
0x0: {  	(pc) =	sbr.rel $0x88, $3  }
0x1: {  	(tag) =	ssettag $0x0;
	lr =	simm.s32 $0x1  }
0x2: {  	[smem:$0x3F9F] =	sst lr;
	_ =	strace $0xD0000000  }
0x3: {  	_ = 	snop  }
0x4: {  	_ = 	snop  }
0x5: {  	_ = 	snop  }
0x6: {  	_ = 	snop  }
0x7: {  	_ = 	snop  }
__scs_overlays_trampoline_lowered:
0x8: {  	[smem:$0x3FAE] =	sst s0  }
0x9: {  	[smem:$0x3FAF] =	sst s1  }
0xa: {  	[smem:$0x3FB0] =	sst s2  }
0xb: {  	[smem:$0x3FB1] =	sst s3  }
0xc: {  	[smem:$0x3FB2] =	sst s4  }
0xd: {  	[smem:$0x3FB3] =	sst s5  }
0xe: {  	[smem:$0x3FB4] =	sst s6  }
0xf: {  	[smem:$0x3FB5] =	sst s7  }
0x10: {  	[smem:$0x3FB6] =	sst s8  }
0x11: {  	[smem:$0x3FB7] =	sst s9;
	s0 =	simm.s32 @!p0 $0x0  }
0x12: {  	s1 =	sld [smem:$0x3F9D];
	s0 =	simm.s32 @p0 $0x1  }
0x13: {  	[smem:$0x3FB8] =	sst s0;
	s0 =	simm.s32 @!p1 $0x0  }
0x14: {  	s2 =	sld [smem:$0x3F9C];
	s0 =	simm.s32 @p1 $0x1  }
0x15: {  	[smem:$0x3FB9] =	sst s0;
	s0 =	simm.s32 @!p2 $0x0  }
0x16: {  	s3 =	sld [smem:$0x3FDB];
	s0 =	simm.s32 @p2 $0x1  }
0x17: {  	s4 =	simm.s32 $0x1BF5;
	[smem:$0x3FBB] =	sst s0  }
0x18: {  	s0 =	sld [smem:$0x3F9E];
	_ =	swait.ge [sflag:s4], $0x0  }
0x19: {  	s7 =	sld [smem:$0x3F9F]  }
0x1a: {  	s8 =	sadd.s32 $0xFFFFE003, lr  }
0x1b: {  	s9 =	sadd.s32 $0xFFFFFEF7, lr;
	s5 =	simm.s32 $0xFFFFFFFF;
	p2 =	slt.u32 s8, $0xFFFFF086  }
0x1c: {  	p1 =	slt.u32 s9, $0xF7A;
	s5 =	simm.s32 @!p2 $0x0  }
0x1d: {  	s5 =	simm.s32 @p1 $0x1;
	p0 =	seq.s32 s7, s2  }
0x1e: {  	s7 =	smul.u32 @!p0 $0xF7A, s2;
	p2 =	seq.s32 @!p0 s5, $0x0  }
0x1f: {  	s9 =	smul.u32 $0xF7A, s1;
	s8 =	simm.s32 @!p0 $0x1BF5;
	p2 =	por !p2, p0  }
0x20: {  	[sflag:s8] =	ssyncset.s32 @!p0 $0xFFFFF086;
	s6 =	sadd.s32 @!p0 s3, s7;
	s7 =	simm.s32 @!p0 $0x108  }
0x21: {  	s3 =	sadd.s32 s3, s9;
	s6 =	sadd.s32 @!p0 $0x88, s6;
	s7 =	simm.s32 @p2 $0x1082  }
0x22: {  	[simem:s7], [sflag:s8] =	dma.local @!p0 [hbm:s6], $0xF7A  }
0x23: {  	s9 =	sor.u32 $0xD0000000, s2;
	s6 =	simm.s32 $0x108;
	_ =	swait.ge @!p0 [sflag:s8], $0x0  }
0x24: {  	s3 =	sadd.s32 $0x88, s3;
	s6 =	simm.s32 @!p1 $0x1082;
	[sflag:s4] =	ssyncset.s32 $0xFFFFF086  }
0x25: {  	[simem:s6], [sflag:s4] =	dma.local [hbm:s3], $0xF7A  }
0x26: {  	[smem:$0x3F9F] =	sst s1;
	(tag) =	ssettag s2;
	_ =	strace s9  }
0x27: {  	s1 =	sld [smem:$0x3FAF]  }
0x28: {  	s2 =	sld [smem:$0x3FB0]  }
0x29: {  	s4 =	sld [smem:$0x3FB2]  }
0x2a: {  	p0 =	seq.s32 s5, $0x0;
	s5 =	sld [smem:$0x3FB3]  }
0x2b: {  	s6 =	sld [smem:$0x3FB4]  }
0x2c: {  	s7 =	sld [smem:$0x3FB5]  }
0x2d: {  	s3 =	simm.s32 $0x108;
	s8 =	sld [smem:$0x3FB6]  }
0x2e: {  	s3 =	simm.s32 @!p0 $0x1082;
	s9 =	sld [smem:$0x3FB7]  }
0x2f: {  	lr =	sadd.s32 s0, s3;
	s0 =	sld [smem:$0x3FAE]  }
0x30: {  	s3 =	sld [smem:$0x3FB1]  }
0x31: {  	[smem:$0x3FBA] =	sst s10  }
0x32: {  	s10 =	sld [smem:$0x3FB8];
	_ =	sdelay $0x3  }
0x33: {  	p0 =	seq.s32 s10, $0x1;
	s10 =	sld [smem:$0x3FBA];
	_ =	sdelay $0x3  }
0x34: {  	[smem:$0x3FBA] =	sst s10  }
0x35: {  	s10 =	sld [smem:$0x3FB9];
	_ =	sdelay $0x3  }
0x36: {  	p1 =	seq.s32 s10, $0x1;
	s10 =	sld [smem:$0x3FBA];
	_ =	sdelay $0x3  }
0x37: {  	[smem:$0x3FBA] =	sst s10  }
0x38: {  	s10 =	sld [smem:$0x3FBB]  }
0x39: {  	_ = 	snop;
	(pc) =	sbr.ind lr, $3  }
0x3a: {  	_ = 	snop  }
0x3b: {  	_ = 	snop  }
0x3c: {  	p2 =	seq.s32 s10, $0x1;
	s10 =	sld [smem:$0x3FBA]  }
0x3d: {  	_ =	shalt  }
0x3e: {  	_ =	shalt  }
0x3f: {  	_ =	shalt  }
0x40: {  	_ =	shalt  }
0x41: {  	_ =	shalt  }
0x42: {  	_ =	shalt  }
0x43: {  	_ =	shalt  }
0x44: {  	_ =	shalt  }
0x45: {  	_ =	shalt  }
0x46: {  	_ =	shalt  }
0x47: {  	_ =	shalt  }
0x48: {  	_ =	shalt  }
0x49: {  	_ =	shalt  }
0x4a: {  	_ =	shalt  }
0x4b: {  	_ =	shalt  }
0x4c: {  	_ =	shalt  }
0x4d: {  	_ =	shalt  }
0x4e: {  	_ =	shalt  }
0x4f: {  	_ =	shalt  }
0x50: {  	_ =	shalt  }
0x51: {  	_ =	shalt  }
0x52: {  	_ =	shalt  }
0x53: {  	_ =	shalt  }
0x54: {  	_ =	shalt  }
0x55: {  	_ =	shalt  }
0x56: {  	_ =	shalt  }
0x57: {  	_ =	shalt  }
0x58: {  	_ =	shalt  }
0x59: {  	_ =	shalt  }
0x5a: {  	_ =	shalt  }
0x5b: {  	_ =	shalt  }
0x5c: {  	_ =	shalt  }
0x5d: {  	_ =	shalt  }
0x5e: {  	_ =	shalt  }
0x5f: {  	_ =	shalt  }
0x60: {  	_ =	shalt  }
0x61: {  	_ =	shalt  }
0x62: {  	_ =	shalt  }
0x63: {  	_ =	shalt  }
0x64: {  	_ =	shalt  }
0x65: {  	_ =	shalt  }
0x66: {  	_ =	shalt  }
0x67: {  	_ =	shalt  }
0x68: {  	_ =	shalt  }
0x69: {  	_ =	shalt  }
0x6a: {  	_ =	shalt  }
0x6b: {  	_ =	shalt  }
0x6c: {  	_ =	shalt  }
0x6d: {  	_ =	shalt  }
0x6e: {  	_ =	shalt  }
0x6f: {  	_ =	shalt  }
0x70: {  	_ =	shalt  }
0x71: {  	_ =	shalt  }
0x72: {  	_ =	shalt  }
0x73: {  	_ =	shalt  }
0x74: {  	_ =	shalt  }
0x75: {  	_ =	shalt  }
0x76: {  	_ =	shalt  }
0x77: {  	_ =	shalt  }
0x78: {  	_ =	shalt  }
0x79: {  	_ =	shalt  }
0x7a: {  	_ =	shalt  }
0x7b: {  	_ =	shalt  }
0x7c: {  	_ =	shalt  }
0x7d: {  	_ =	shalt  }
0x7e: {  	_ =	shalt  }
0x7f: {  	_ =	shalt  }
0x80: {  	_ =	shalt  }
0x81: {  	_ =	shalt  }
0x82: {  	_ =	shalt  }
0x83: {  	_ =	shalt  }
0x84: {  	_ =	shalt  }
0x85: {  	_ =	shalt  }
0x86: {  	_ =	shalt  }
0x87: {  	_ =	shalt  }
.Lfunc_end0:
.L_simem_size_0:
called_computation_lowered:
.L_overlay_start_0:
0x88: {  	s2 =	sld [smem:$0x3FD9]  }
0x89: {  	s3 =	sld [smem:$0x3FFE];
	_ =	sdelay $0x1  }
0x8a: {  	s1 =	srdreg.scid  }
0x8b: {  	s0 =	sand.u32 $0x1, s1  }
0x8c: {  	s18 =	sshll.u32 s0, $0xA;
	s2 =	sadd.s32 s3, s2  }
0x8d: {  	s2 =	sadd.s32 s2, s18  }
0x8e: {  	[smem:$0x3FC6] =	sst s2  }
0x8f: {  	_ = 	snop  }
0x90: {  	s2 =	sld [smem:$0x3FC9]  }
0x91: {  	s19 =	sld [smem:$0x3FC8]  }
0x92: {  	s4 =	sld [smem:$0x3FD0];
	(tm) =	ssettm $0x1  }
0x93: {  	s5 =	sld [smem:$0x3FFB];
	_ =	sdelay $0x3  }
0x94: {  	_ =	strace s5  }
0x95: {  	s5 =	sld [smem:$0x3FFC];
	_ =	sdelay $0x3  }
0x96: {  	_ =	strace s5  }
0x97: {  	s5 =	sld [smem:$0x3FFD];
	_ =	sdelay $0x3  }
0x98: {  	_ =	strace s5  }
0x99: {  	_ =	strace $0x8FFFFFFF  }
0x9a: {  	s20 =	sld [smem:$0x3FDB];
	_ =	sdelay $0x1  }
0x9b: {  	s6 =	simm.s32 $_scs_section_size  }
0x9c: {  	s7 =	simm.s32 $_size__tile_overlayer_lowered;
	s8 =	simm.s32 $_tile_overlayer_lowered  }
0x9d: {  	s23 =	simm.s32 $0x1BFF;
	s22 =	sshll.u32 s8, $0x1;
	s5 =	sadd.s32 s6, s20  }
0x9e: {  	s9 =	simm.s32 $0x0;
	s21 =	sshll.u32 s7, $0x1;
	s7 =	sadd.s32 s22, s5  }
0x9f: {  	[timem:s9], [sflag:s23] =	dma.local [hbm:s7], s21  }
0xa0: {  	_ =	swait.ge [sflag:s23], s21  }
0xa1: {  	s6 =	ssub.s32 $0x0, s21;
	[sflag:s23] =	ssyncset.done $0x0  }
0xa2: {  	[sflag:s23] =	ssyncadd.s32 s6;
	_ =	sdelay $0x1  }
0xa3: {  	s24 =	simm.s32 $0x1B8B  }
0xa4: {  	_ =	swait.ge [sflag:s24], $0x1  }
0xa5: {  	[sflag:s24] =	ssyncset.done $0x0  }
0xa6: {  	s25 =	simm.s32 $0x1B8E;
	[sflag:s24] =	ssyncadd.s32 $0xFFFFFFFF  }
0xa7: {  	s26 =	simm.s32 $execute0_lowered;
	[smem:$0x3FD2] =	sst s25  }
0xa8: {  	s6 =	sshll.u32 s26, $0x1;
	_ =	strace $0x80000046;
	[dreg:$0x1] =	wrdreg $0xFFFFFFFF  }
0xa9: {  	s28 =	simm.s32 $_size_execute0_lowered;
	s5 =	sadd.s32 s5, s6;
	[dreg:$0x0] =	wrdreg $0x0  }
0xaa: {  	s6 =	sshll.u32 s28, $0x1;
	[dreg:$0x2] =	wrdreg s5  }
0xab: {  	[dreg:$0x3] =	wrdreg s6  }
0xac: {  	[dreg:$0x4] =	wrdreg $0xC0  }
0xad: {  	_ =	task [dreg:s9], $0x5FFFF  }
0xae: {  	[dreg:$0x1] =	wrdreg $0xFFFFFFFF  }
0xaf: {  	[dreg:$0x0] =	wrdreg $0x60  }
0xb0: {  	[dreg:$0x2] =	wrdreg s2  }
0xb1: {  	[dreg:$0x3] =	wrdreg s19  }
0xb2: {  	[dreg:$0x4] =	wrdreg s4  }
0xb3: {  	[dreg:$0x5] =	wrdreg $0x9  }
0xb4: {  	_ =	task.clear_ibuf [dreg:s9], $0x6FFFF;
	_ =	strace $0x90000046  }
0xb5: {  	s29 =	simm.s32 $0x9;
	_ =	strace $0x80000048  }
0xb6: {  	_ =	swait.ge [sflag:s29], $0x1  }
0xb7: {  	[sflag:s29] =	ssyncadd.s32 $0xFFFFFFFF  }
0xb8: {  	_ =	strace $0x90000048  }
0xb9: {  	_ =	sfence  }
0xba: {  	s30 =	sld [smem:$0x0];
	_ =	sdelay $0x2  }
0xbb: {  	s31 =	sshll.u32 s1, $0xD;
	s1 =	sshrl.u32 s1, $0x2  }
0xbc: {  	s3 =	sand.u32 $0x4000, s31;
	s1 =	sadd.s32 s1, s30  }
0xbd: {  	s0 =	sor.u32 s3, s0;
	s1 =	sshll.u32 s1, $0x11  }
0xbe: {  	s0 =	sor.u32 s1, s0  }
0xbf: {  	s0 =	sadd.s32 $0x8F2B, s0  }
0xc0: {  	[sflag:s0] =	ssyncadd.remote.s32 $0x1  }
0xc1: {  	_ =	sfence.sel $0xFFFF  }
0xc2: {  	[dreg:$0x0] =	wrdreg $0xFFFFFFFF;
	(pc) =	sbr.abs _section_cstart, $3  }
0xc3: {  	[dreg:$0x1] =	wrdreg $0xFFFFFFFF  }
0xc4: {  	_ =	task.clear_ibuf [dreg:s9], $0x2FFFF;
	_ =	strace $0x9FFFFFFF  }
0xc5: {  	(tm) =	ssettm $0x7FFFFFFF  }
tec
execute0_lowered:
.L_overlay_start_1:
0x0: {  	(tag) =	ssettag $0x1  }
0x1: {  	s0 =	rddreg [dreg:$0x0]  }
0x2: {  	s1 =	rddreg [dreg:$0x1]  }
0x3: {  	s2 =	rddreg [dreg:$0x2]  }
0x4: {  	s3 =	simm.s32 $0x0;
	s4 =	srdreg.scid;
	s10 =	stileid.u32  }
0x5: {  	s12 =	simm.s32 $0x200;
	s30 =	simm.s32 $0x1;
	s31 =	simm.s32 $0x8200  }
0x6: {  	s13 =	simm.s32 $0xBA00;
	s14 =	simm.s32 $0x2;
	s15 =	simm.s32 $0xC200  }
0x7: {  	s16 =	simm.s32 $0xCA00;
	s17 =	simm.s32 $0xD200;
	s18 =	simm.s32 $0xDA00  }
0x8: {  	s19 =	simm.s32 $0xE200;
	s28 =	simm.s32 $0x6;
	s11 =	simm.s32 $0x0  }
0x9: {  	[smem:$0x7FF] =	sst s3;
	s4 =	sand.u32 $0x1, s4;
	s6 =	sshll.u32 s10, $0x1  }
0xa: {  	s8 =	sshll.u32 s10, $0x2;
	s24 =	sshll.u32 s10, $0x11;
	_ =	strace $0x80000047  }
0xb: {  	s5 =	ssub.s32 $0x2, s4;
	s6 =	sor.u32 s4, s6;
	s21 =	sand.u32 $0x30, s8  }
0xc: {  	s25 =	sadd.s32 s24, s2;
	s26 =	sshll.u32 s4, $0x10;
	s4 =	simm.s32 $0xA200  }
0xd: {  	s8 =	simm.s32 $0xAA00;
	s24 =	simm.s32 $0x3;
	s7 =	sshrl.u32 s5, $0x1  }
0xe: {  	s20 =	sshll.u32 s6, $0x8;
	s22 =	sshll.u32 s6, $0x10;
	s0 =	sadd.s32 s0, s21  }
0xf: {  	s6 =	sadd.s32 $0x200, s1;
	s10 =	sadd.s32 s26, s25;
	s21 =	simm.s32 $0x4200  }
0x10: {  	s25 =	simm.s32 $0x4;
	s26 =	simm.s32 $0x5;
	s9 =	ssub.s32 s5, s7  }
.Ltmp0:
0x11: {  	s5 =	sand.u32 $0x700, s20;
	s7 =	sadd.s32 $0x300, s1;
	(pc) =	sbr.rel .LBB2_1-.Ltmp0, $4  }
0x12: {  	s23 =	sadd.s32 s22, s2;
	s20 =	simm.s32 $0xEA00;
	s0 =	sadd.s32 s5, s0  }
0x13: {  	v2 =	vlaneseq.u32;
	s22 =	simm.s32 $0xF200;
	s29 =	smax.u32 s9, $0x1;
	[dreg:$0x4] =	wrdreg s0  }
0x14: {  	vm0 =	vmmov $0xffff;
	v1 =	vshrl.u32 v2, $0x3;
	s5 =	sadd.s32 $0x100, s1;
	s0 =	sadd.s32 $0xF800, s23;
	[dreg:$0x6] =	wrdreg s29  }
0x15: {  	v0 =	vand.u32 $0x7, v2;
	v2 =	vor.u32 $0x8, v2;
	v1 =	vmul.u32 $0x8, v1;
	s9 =	simm.s32 $0xB200;
	s23 =	simm.s32 $0xFA00;
	[dreg:$0x5] =	wrdreg s0  }
.LBB2_4:
0x16: {  	_ =	swait.ge [sflag:s25], $0x4000  }
0x17: {  	[sflag:s25] =	ssyncset.done $0x0  }
0x18: {  	s0 =	rddreg [dreg:$0x5];
	[sflag:s25] =	ssyncadd.s32 $0xFFFFC000  }
0x19: {  	[hbm4b:s0+s3] =	stream.linear.scatter [tilespmem:s15], [sflag:$0x8], $0x4000, $0x38;
	[tilespmem:$0x10200] =	vst v63  }
0x1a: {  	_ =	swait.ge [sflag:s26], $0x4000  }
0x1b: {  	[sflag:s26] =	ssyncset.done $0x0  }
0x1c: {  	[sflag:s26] =	ssyncadd.s32 $0xFFFFC000  }
0x1d: {  	_ =	swait.ge [sflag:s28], $0x4000  }
0x1e: {  	[sflag:s28] =	ssyncset.done $0x0  }
0x1f: {  	s11 =	simm.s32 $0x7;
	[sflag:s28] =	ssyncadd.s32 $0xFFFFC000  }
0x20: {  	_ =	swait.ge [sflag:s11], $0x4000  }
0x21: {  	[sflag:s11] =	ssyncset.done $0x0  }
0x22: {  	s2 =	simm.s32 $0x8;
	[sflag:s11] =	ssyncadd.s32 $0xFFFFC000  }
0x23: {  	_ =	swait.ge [sflag:s2], $0x4000  }
0x24: {  	s11 =	rddreg [dreg:$0x7]  }
0x25: {  	s29 =	rddreg [dreg:$0x6];
	s11 =	sadd.s32 $0x1, s11  }
0x26: {  	p0 =	sne.s32 s11, s29  }
.Ltmp1:
0x27: {  	_ = 	snop;
	(pc) =	sbr.rel @!p0 .LBB2_5-.Ltmp1, $3  }
0x28: {  	_ =	sdelay $0x1  }
0x29: {  	[sflag:s2] =	ssyncset.done $0x0  }
0x2a: {  	[sflag:s2] =	ssyncadd.s32 $0xFFFFC000  }
.LBB2_1:
0x2b: {  	[dreg:$0x7] =	wrdreg s11  }
0x2c: {  	s0 =	rddreg [dreg:$0x4];
	s2 =	simm.s32 $0x80;
	s11 =	simm.s32 $0x9  }
0x2d: {  	[tilespmem:s3], [sflag:$0x9] =	stream.strided.gather [hbm4b:s0+s2], $0x200, s12, s2, $0x38;
	[tilespmem:$0x10200] =	vst v63  }
0x2e: {  	_ =	swait.ge [sflag:s11], $0x200  }
0x2f: {  	[sflag:s11] =	ssyncset.done $0x0  }
0x30: {  	[sflag:s11] =	ssyncadd.s32 $0xFFFFFE00  }
0x31: {  	v3 =	vld [tilespmem:$0x0];
	_ =	sdelay $0x4  }
0x32: {  	v4 =	vshll.u32 v3, $0x3  }
0x33: {  	v3 =	vand.u32 $0x7, v3;
	v4 =	vand.u32 $0xFFFFFFC0, v4  }
0x34: {  	v3 =	vor.u32 v3, v4  }
0x35: {  	v4 =	vperm.xlane v3, v0;
	_ =	sdelay $0x1  }
0x36: {  	v4 =	vadd.s32 v1, v4;
	_ =	sdelay $0x4  }
0x37: {  	[tilespmem:s12], [sflag:$0x1] =	stream.indirect_vreg.gather [hbm4b:s1+s3], $0x80, v4, vm0, $0xb8;
	[tilespmem:$0x10200] =	vst v63  }
0x38: {  	s2 =	simm.s32 $0xA00;
	v3 =	vperm.xlane v3, v2  }
0x39: {  	[tilespmem:s2], [sflag:$0x1] =	stream.indirect_vreg.gather [hbm4b:s5+s3], $0x80, v4, vm0, $0xb8;
	[tilespmem:$0x10200] =	vst v63  }
0x3a: {  	s11 =	simm.s32 $0x1200;
	v3 =	vadd.s32 v1, v3  }
0x3b: {  	[tilespmem:s11], [sflag:$0x1] =	stream.indirect_vreg.gather [hbm4b:s6+s3], $0x80, v4, vm0, $0xb8;
	[tilespmem:$0x10200] =	vst v63  }
0x3c: {  	s2 =	simm.s32 $0x1A00  }
0x3d: {  	[tilespmem:s2], [sflag:$0x1] =	stream.indirect_vreg.gather [hbm4b:s7+s3], $0x80, v4, vm0, $0xb8;
	[tilespmem:$0x10200] =	vst v63  }
0x3e: {  	s11 =	simm.s32 $0x2200  }
0x3f: {  	[tilespmem:s11], [sflag:$0x1] =	stream.indirect_vreg.gather [hbm4b:s1+s3], $0x80, v3, vm0, $0xb8;
	[tilespmem:$0x10200] =	vst v63  }
0x40: {  	s2 =	simm.s32 $0x2A00  }
0x41: {  	[tilespmem:s2], [sflag:$0x1] =	stream.indirect_vreg.gather [hbm4b:s5+s3], $0x80, v3, vm0, $0xb8;
	[tilespmem:$0x10200] =	vst v63  }
0x42: {  	s11 =	simm.s32 $0x3200  }
0x43: {  	[tilespmem:s11], [sflag:$0x1] =	stream.indirect_vreg.gather [hbm4b:s6+s3], $0x80, v3, vm0, $0xb8;
	[tilespmem:$0x10200] =	vst v63  }
0x44: {  	s2 =	simm.s32 $0x3A00  }
0x45: {  	[tilespmem:s2], [sflag:$0x1] =	stream.indirect_vreg.gather [hbm4b:s7+s3], $0x80, v3, vm0, $0xb8;
	[tilespmem:$0x10200] =	vst v63  }
0x46: {  	v3 =	vld [tilespmem:$0x10];
	_ =	sdelay $0x4  }
0x47: {  	v63 =	vshll.u32 v3, $0x3  }
0x48: {  	v3 =	vand.u32 $0x7, v3;
	v4 =	vand.u32 $0xFFFFFFC0, v63  }
0x49: {  	v3 =	vor.u32 v3, v4  }
0x4a: {  	v4 =	vperm.xlane v3, v0;
	_ =	sdelay $0x1  }
0x4b: {  	v4 =	vadd.s32 v1, v4;
	_ =	sdelay $0x4  }
0x4c: {  	[tilespmem:s21], [sflag:$0x2] =	stream.indirect_vreg.gather [hbm4b:s1+s3], $0x80, v4, vm0, $0xb8;
	[tilespmem:$0x10200] =	vst v63  }
0x4d: {  	s11 =	simm.s32 $0x4A00;
	v3 =	vperm.xlane v3, v2  }
0x4e: {  	[tilespmem:s11], [sflag:$0x2] =	stream.indirect_vreg.gather [hbm4b:s5+s3], $0x80, v4, vm0, $0xb8;
	[tilespmem:$0x10200] =	vst v63  }
0x4f: {  	s2 =	simm.s32 $0x5200;
	v3 =	vadd.s32 v1, v3  }
0x50: {  	[tilespmem:s2], [sflag:$0x2] =	stream.indirect_vreg.gather [hbm4b:s6+s3], $0x80, v4, vm0, $0xb8;
	[tilespmem:$0x10200] =	vst v63  }
0x51: {  	s11 =	simm.s32 $0x5A00  }
0x52: {  	[tilespmem:s11], [sflag:$0x2] =	stream.indirect_vreg.gather [hbm4b:s7+s3], $0x80, v4, vm0, $0xb8;
	[tilespmem:$0x10200] =	vst v63  }
0x53: {  	s2 =	simm.s32 $0x6200  }
0x54: {  	[tilespmem:s2], [sflag:$0x2] =	stream.indirect_vreg.gather [hbm4b:s1+s3], $0x80, v3, vm0, $0xb8;
	[tilespmem:$0x10200] =	vst v63  }
0x55: {  	s11 =	simm.s32 $0x6A00  }
0x56: {  	[tilespmem:s11], [sflag:$0x2] =	stream.indirect_vreg.gather [hbm4b:s5+s3], $0x80, v3, vm0, $0xb8;
	[tilespmem:$0x10200] =	vst v63  }
0x57: {  	s2 =	simm.s32 $0x7200  }
0x58: {  	[tilespmem:s2], [sflag:$0x2] =	stream.indirect_vreg.gather [hbm4b:s6+s3], $0x80, v3, vm0, $0xb8;
	[tilespmem:$0x10200] =	vst v63  }
0x59: {  	s29 =	simm.s32 $0x30;
	s0 =	simm.s32 $0x0;
	s11 =	simm.s32 $0x7A00  }
0x5a: {  	[tilespmem:s11], [sflag:$0x2] =	stream.indirect_vreg.gather [hbm4b:s7+s3], $0x80, v3, vm0, $0xb8;
	[tilespmem:$0x10200] =	vst v63  }
.LBB2_2:
0x5b: {  	_ =	swait.ge [sflag:s30], $0x4000  }
0x5c: {  	p0 =	seq.s32 s0, $0x0;
	[sflag:s30] =	ssyncset.done $0x0  }
0x5d: {  	s2 =	sadd.s32 s0, s10;
	s11 =	simm.s32 @!p0 $0x7;
	[sflag:s30] =	ssyncadd.s32 $0xFFFFC000  }
0x5e: {  	[hbm4b:s2+s3] =	stream.linear.scatter [tilespmem:s12], [sflag:$0x5], $0x4000, $0x38;
	[tilespmem:$0x10200] =	vst v63  }
0x5f: {  	_ =	swait.ge @!p0 [sflag:s11], $0x4000  }
0x60: {  	[sflag:s11] =	ssyncset.done @!p0 $0x0  }
0x61: {  	[sflag:s11] =	ssyncadd.s32 @!p0 $0xFFFFC000  }
0x62: {  	v3 =	vld [tilespmem:s29+$0xFFFFFFF0];
	_ =	sdelay $0x4  }
0x63: {  	v4 =	vshll.u32 v3, $0x3  }
0x64: {  	v3 =	vand.u32 $0x7, v3;
	v4 =	vand.u32 $0xFFFFFFC0, v4  }
0x65: {  	v3 =	vor.u32 v3, v4  }
0x66: {  	v4 =	vperm.xlane v3, v0;
	_ =	sdelay $0x1  }
0x67: {  	v4 =	vadd.s32 v1, v4;
	_ =	sdelay $0x4  }
0x68: {  	[tilespmem:s31], [sflag:$0x3] =	stream.indirect_vreg.gather [hbm4b:s1+s3], $0x80, v4, vm0, $0xb8;
	[tilespmem:$0x10200] =	vst v63  }
0x69: {  	s11 =	simm.s32 $0x8A00;
	v3 =	vperm.xlane v3, v2  }
0x6a: {  	[tilespmem:s11], [sflag:$0x3] =	stream.indirect_vreg.gather [hbm4b:s5+s3], $0x80, v4, vm0, $0xb8;
	[tilespmem:$0x10200] =	vst v63  }
0x6b: {  	v3 =	vadd.s32 v1, v3;
	s11 =	simm.s32 $0x9200  }
0x6c: {  	[tilespmem:s11], [sflag:$0x3] =	stream.indirect_vreg.gather [hbm4b:s6+s3], $0x80, v4, vm0, $0xb8;
	[tilespmem:$0x10200] =	vst v63  }
0x6d: {  	s11 =	simm.s32 $0x9A00  }
0x6e: {  	[tilespmem:s11], [sflag:$0x3] =	stream.indirect_vreg.gather [hbm4b:s7+s3], $0x80, v4, vm0, $0xb8;
	[tilespmem:$0x10200] =	vst v63  }
0x6f: {  	_ = 	snop  }
0x70: {  	[tilespmem:s4], [sflag:$0x3] =	stream.indirect_vreg.gather [hbm4b:s1+s3], $0x80, v3, vm0, $0xb8;
	[tilespmem:$0x10200] =	vst v63  }
0x71: {  	_ = 	snop  }
0x72: {  	[tilespmem:s8], [sflag:$0x3] =	stream.indirect_vreg.gather [hbm4b:s5+s3], $0x80, v3, vm0, $0xb8;
	[tilespmem:$0x10200] =	vst v63  }
0x73: {  	_ = 	snop  }
0x74: {  	[tilespmem:s9], [sflag:$0x3] =	stream.indirect_vreg.gather [hbm4b:s6+s3], $0x80, v3, vm0, $0xb8;
	[tilespmem:$0x10200] =	vst v63  }
0x75: {  	_ = 	snop  }
0x76: {  	[tilespmem:s13], [sflag:$0x3] =	stream.indirect_vreg.gather [hbm4b:s7+s3], $0x80, v3, vm0, $0xb8;
	[tilespmem:$0x10200] =	vst v63  }
0x77: {  	_ =	swait.ge [sflag:s14], $0x4000  }
0x78: {  	[sflag:s14] =	ssyncset.done $0x0  }
0x79: {  	s11 =	sadd.s32 $0x800, s2;
	[sflag:s14] =	ssyncadd.s32 $0xFFFFC000  }
0x7a: {  	[hbm4b:s11+s3] =	stream.linear.scatter [tilespmem:s21], [sflag:$0x6], $0x4000, $0x38;
	[tilespmem:$0x10200] =	vst v63  }
0x7b: {  	s11 =	simm.s32 @!p0 $0x8  }
0x7c: {  	_ =	swait.ge @!p0 [sflag:s11], $0x4000  }
0x7d: {  	[sflag:s11] =	ssyncset.done @!p0 $0x0  }
0x7e: {  	[sflag:s11] =	ssyncadd.s32 @!p0 $0xFFFFC000  }
0x7f: {  	v3 =	vld [tilespmem:s29+$0x0];
	_ =	sdelay $0x4  }
0x80: {  	v63 =	vshll.u32 v3, $0x3  }
0x81: {  	v3 =	vand.u32 $0x7, v3;
	v4 =	vand.u32 $0xFFFFFFC0, v63  }
0x82: {  	v3 =	vor.u32 v3, v4  }
0x83: {  	v4 =	vperm.xlane v3, v0;
	_ =	sdelay $0x1  }
0x84: {  	v4 =	vadd.s32 v1, v4;
	_ =	sdelay $0x4  }
0x85: {  	[tilespmem:s15], [sflag:$0x4] =	stream.indirect_vreg.gather [hbm4b:s1+s3], $0x80, v4, vm0, $0xb8;
	[tilespmem:$0x10200] =	vst v63  }
0x86: {  	v3 =	vperm.xlane v3, v2  }
0x87: {  	[tilespmem:s16], [sflag:$0x4] =	stream.indirect_vreg.gather [hbm4b:s5+s3], $0x80, v4, vm0, $0xb8;
	[tilespmem:$0x10200] =	vst v63  }
0x88: {  	v3 =	vadd.s32 v1, v3  }
0x89: {  	[tilespmem:s17], [sflag:$0x4] =	stream.indirect_vreg.gather [hbm4b:s6+s3], $0x80, v4, vm0, $0xb8;
	[tilespmem:$0x10200] =	vst v63  }
0x8a: {  	_ = 	snop  }
0x8b: {  	[tilespmem:s18], [sflag:$0x4] =	stream.indirect_vreg.gather [hbm4b:s7+s3], $0x80, v4, vm0, $0xb8;
	[tilespmem:$0x10200] =	vst v63  }
0x8c: {  	_ = 	snop  }
0x8d: {  	[tilespmem:s19], [sflag:$0x4] =	stream.indirect_vreg.gather [hbm4b:s1+s3], $0x80, v3, vm0, $0xb8;
	[tilespmem:$0x10200] =	vst v63  }
0x8e: {  	_ = 	snop  }
0x8f: {  	[tilespmem:s20], [sflag:$0x4] =	stream.indirect_vreg.gather [hbm4b:s5+s3], $0x80, v3, vm0, $0xb8;
	[tilespmem:$0x10200] =	vst v63  }
0x90: {  	_ = 	snop  }
0x91: {  	[tilespmem:s22], [sflag:$0x4] =	stream.indirect_vreg.gather [hbm4b:s6+s3], $0x80, v3, vm0, $0xb8;
	[tilespmem:$0x10200] =	vst v63  }
0x92: {  	p0 =	seq.s32 s0, $0xE000  }
0x93: {  	[tilespmem:s23], [sflag:$0x4] =	stream.indirect_vreg.gather [hbm4b:s7+s3], $0x80, v3, vm0, $0xb8;
	[tilespmem:$0x10200] =	vst v63  }
.Ltmp2:
0x94: {  	_ = 	snop;
	(pc) =	sbr.rel @p0 .LBB2_4-.Ltmp2, $4  }
0x95: {  	_ =	swait.ge [sflag:s24], $0x4000  }
0x96: {  	[sflag:s24] =	ssyncset.done $0x0  }
0x97: {  	s11 =	sadd.s32 $0x1000, s2;
	[sflag:s24] =	ssyncadd.s32 $0xFFFFC000  }
0x98: {  	[hbm4b:s11+s3] =	stream.linear.scatter [tilespmem:s31], [sflag:$0x7], $0x4000, $0x38;
	[tilespmem:$0x10200] =	vst v63  }
0x99: {  	_ =	swait.ge [sflag:s26], $0x4000  }
0x9a: {  	[sflag:s26] =	ssyncset.done $0x0  }
0x9b: {  	[sflag:s26] =	ssyncadd.s32 $0xFFFFC000  }
0x9c: {  	v3 =	vld [tilespmem:s29+$0x10];
	_ =	sdelay $0x4  }
0x9d: {  	v4 =	vshll.u32 v3, $0x3  }
0x9e: {  	v3 =	vand.u32 $0x7, v3;
	v4 =	vand.u32 $0xFFFFFFC0, v4  }
0x9f: {  	v3 =	vor.u32 v3, v4  }
0xa0: {  	v4 =	vperm.xlane v3, v0;
	_ =	sdelay $0x1  }
0xa1: {  	v4 =	vadd.s32 v1, v4;
	_ =	sdelay $0x4  }
0xa2: {  	[tilespmem:s12], [sflag:$0x1] =	stream.indirect_vreg.gather [hbm4b:s1+s3], $0x80, v4, vm0, $0xb8;
	[tilespmem:$0x10200] =	vst v63  }
0xa3: {  	s11 =	simm.s32 $0xA00;
	v3 =	vperm.xlane v3, v2  }
0xa4: {  	[tilespmem:s11], [sflag:$0x1] =	stream.indirect_vreg.gather [hbm4b:s5+s3], $0x80, v4, vm0, $0xb8;
	[tilespmem:$0x10200] =	vst v63  }
0xa5: {  	v3 =	vadd.s32 v1, v3;
	s11 =	simm.s32 $0x1200  }
0xa6: {  	[tilespmem:s11], [sflag:$0x1] =	stream.indirect_vreg.gather [hbm4b:s6+s3], $0x80, v4, vm0, $0xb8;
	[tilespmem:$0x10200] =	vst v63  }
0xa7: {  	s11 =	simm.s32 $0x1A00  }
0xa8: {  	[tilespmem:s11], [sflag:$0x1] =	stream.indirect_vreg.gather [hbm4b:s7+s3], $0x80, v4, vm0, $0xb8;
	[tilespmem:$0x10200] =	vst v63  }
0xa9: {  	s11 =	simm.s32 $0x2200  }
0xaa: {  	[tilespmem:s11], [sflag:$0x1] =	stream.indirect_vreg.gather [hbm4b:s1+s3], $0x80, v3, vm0, $0xb8;
	[tilespmem:$0x10200] =	vst v63  }
0xab: {  	s11 =	simm.s32 $0x2A00  }
0xac: {  	[tilespmem:s11], [sflag:$0x1] =	stream.indirect_vreg.gather [hbm4b:s5+s3], $0x80, v3, vm0, $0xb8;
	[tilespmem:$0x10200] =	vst v63  }
0xad: {  	s11 =	simm.s32 $0x3200  }
0xae: {  	[tilespmem:s11], [sflag:$0x1] =	stream.indirect_vreg.gather [hbm4b:s6+s3], $0x80, v3, vm0, $0xb8;
	[tilespmem:$0x10200] =	vst v63  }
0xaf: {  	s11 =	simm.s32 $0x3A00  }
0xb0: {  	[tilespmem:s11], [sflag:$0x1] =	stream.indirect_vreg.gather [hbm4b:s7+s3], $0x80, v3, vm0, $0xb8;
	[tilespmem:$0x10200] =	vst v63  }
0xb1: {  	_ =	swait.ge [sflag:s25], $0x4000  }
0xb2: {  	[sflag:s25] =	ssyncset.done $0x0  }
0xb3: {  	s2 =	sadd.s32 $0x1800, s2;
	[sflag:s25] =	ssyncadd.s32 $0xFFFFC000  }
0xb4: {  	[hbm4b:s2+s3] =	stream.linear.scatter [tilespmem:s15], [sflag:$0x8], $0x4000, $0x38;
	[tilespmem:$0x10200] =	vst v63  }
0xb5: {  	_ =	swait.ge [sflag:s28], $0x4000  }
0xb6: {  	[sflag:s28] =	ssyncset.done $0x0  }
0xb7: {  	[sflag:s28] =	ssyncadd.s32 $0xFFFFC000  }
0xb8: {  	v3 =	vld [tilespmem:s29+$0x20];
	_ =	sdelay $0x4  }
0xb9: {  	v63 =	vshll.u32 v3, $0x3  }
0xba: {  	v3 =	vand.u32 $0x7, v3;
	v4 =	vand.u32 $0xFFFFFFC0, v63  }
0xbb: {  	v3 =	vor.u32 v3, v4  }
0xbc: {  	v4 =	vperm.xlane v3, v0;
	_ =	sdelay $0x1  }
0xbd: {  	v4 =	vadd.s32 v1, v4;
	_ =	sdelay $0x4  }
0xbe: {  	[tilespmem:s21], [sflag:$0x2] =	stream.indirect_vreg.gather [hbm4b:s1+s3], $0x80, v4, vm0, $0xb8;
	[tilespmem:$0x10200] =	vst v63  }
0xbf: {  	s11 =	simm.s32 $0x4A00;
	v3 =	vperm.xlane v3, v2  }
0xc0: {  	[tilespmem:s11], [sflag:$0x2] =	stream.indirect_vreg.gather [hbm4b:s5+s3], $0x80, v4, vm0, $0xb8;
	[tilespmem:$0x10200] =	vst v63  }
0xc1: {  	v3 =	vadd.s32 v1, v3;
	s11 =	simm.s32 $0x5200  }
0xc2: {  	[tilespmem:s11], [sflag:$0x2] =	stream.indirect_vreg.gather [hbm4b:s6+s3], $0x80, v4, vm0, $0xb8;
	[tilespmem:$0x10200] =	vst v63  }
0xc3: {  	s11 =	simm.s32 $0x5A00  }
0xc4: {  	[tilespmem:s11], [sflag:$0x2] =	stream.indirect_vreg.gather [hbm4b:s7+s3], $0x80, v4, vm0, $0xb8;
	[tilespmem:$0x10200] =	vst v63  }
0xc5: {  	s11 =	simm.s32 $0x6200  }
0xc6: {  	[tilespmem:s11], [sflag:$0x2] =	stream.indirect_vreg.gather [hbm4b:s1+s3], $0x80, v3, vm0, $0xb8;
	[tilespmem:$0x10200] =	vst v63  }
0xc7: {  	s11 =	simm.s32 $0x6A00  }
0xc8: {  	[tilespmem:s11], [sflag:$0x2] =	stream.indirect_vreg.gather [hbm4b:s5+s3], $0x80, v3, vm0, $0xb8;
	[tilespmem:$0x10200] =	vst v63  }
.Ltmp3:
0xc9: {  	_ = 	snop;
	(pc) =	sbr.rel .LBB2_2-.Ltmp3, $4  }
0xca: {  	s11 =	simm.s32 $0x7200  }
0xcb: {  	[tilespmem:s11], [sflag:$0x2] =	stream.indirect_vreg.gather [hbm4b:s6+s3], $0x80, v3, vm0, $0xb8;
	[tilespmem:$0x10200] =	vst v63  }
0xcc: {  	s0 =	sadd.s32 $0x2000, s0;
	s29 =	sadd.s32 $0x40, s29;
	s11 =	simm.s32 $0x7A00  }
0xcd: {  	[tilespmem:s11], [sflag:$0x2] =	stream.indirect_vreg.gather [hbm4b:s7+s3], $0x80, v3, vm0, $0xb8;
	[tilespmem:$0x10200] =	vst v63  }
.LBB2_5:
0xce: {  	_ =	sfence.sel $0x180000  }
0xcf: {  	[bflag:$0x0] =	sbarrier.arrive $0xFFFF  }
0xd0: {  	_ =	strace $0x90000047  }
0xd1: {  	s0 =	stileid.u32;
	[bflag:$0x2] =	sbarrier.arrive $0xFFFF  }
0xd2: {  	p0 =	sne.s32 s0, $0x0;
	s0 =	rddreg [dreg:$0x3]  }
0xd3: {  	s0 =	sadd.s32 @!p0 $0x100000, s0  }
0xd4: {  	[sflag:s0] =	ssyncadd.tile.s32 @!p0 $0x1;
	_ =	shalt  }
.Lfunc_end2:
_tile_overlayer_lowered:
.L_overlay_start_2:
0xd5: {  	(tag) =	ssettag $0x2  }
0xd6: {  	s0 =	rddreg [dreg:$0x0];
	s2 =	stileid.u32  }
0xd7: {  	s1 =	rddreg [dreg:$0x1];
	p0 =	sne.s32 s2, $0x0  }
0xd8: {  	s3 =	rddreg [dreg:$0x2];
	[bflag:$0x3] =	sbarrier.arrive $0xFFFF;
	s2 =	simm.s32 @!p0 $0x1C09  }
0xd9: {  	[timem:s3], [sflag:s2] =	dma.local @!p0 [hbm:s0], s1  }
0xda: {  	s0 =	simm.s32 @!p0 $0x9  }
0xdb: {  	_ =	swait.ge @!p0 [sflag:s0], s1  }
0xdc: {  	s1 =	ssub.s32 @!p0 $0x0, s1;
	[sflag:s0] =	ssyncset.done @!p0 $0x0  }
0xdd: {  	[sflag:s0] =	ssyncadd.s32 @!p0 s1  }
0xde: {  	[bflag:$0x3] =	sbarrier.arrive $0xFFFF  }
0xdf: {  	_ =	shalt  }

</sc_bundles>
